<compile_context>
chip_gen: v7x
topology: tpu7x:2x2x1
jax: 0.10.2.dev20260603
libtpu: 0.0.44.dev20260713+nightly
codegen_flags: <defaults>
</compile_context>

<pallas_src>
import functools

import jax
import jax.numpy as jnp
from jax import lax
from jax.experimental import pallas as pl
from jax.experimental.pallas import tpu as pltpu
from jax.experimental.pallas import tpu_sc as plsc

N_NODES = 10000
N_EDGES = 320000
D = 128
R = 16

NC = 2
NS = 16
DH = D // NC
EPT = N_EDGES // NS
C = 80
NCHUNK = EPT // C
NP = 10240
RPT = NP // NS
ZR = 128


def _sc_scatter(xs, src, dst, edge_attr):
    mesh = plsc.VectorSubcoreMesh(
        core_axis_name="c", subcore_axis_name="s", num_cores=NC, num_subcores=NS
    )

    @functools.partial(
        pl.kernel,
        mesh=mesh,
        compiler_params=pltpu.CompilerParams(use_tc_tiling_on_sc=False),
        out_type=[
            jax.ShapeDtypeStruct((NC, NP, DH), jnp.float32),
            jax.ShapeDtypeStruct((NC, NP, R), jnp.float32),
        ],
        scratch_types=[
            pltpu.VMEM((NCHUNK, C), jnp.int32),
            pltpu.VMEM((NCHUNK, C), jnp.int32),
            pltpu.VMEM((C, DH), jnp.float32),
            pltpu.VMEM((C, R), jnp.float32),
            pltpu.VMEM((ZR, DH), jnp.float32),
            pltpu.VMEM((ZR, R), jnp.float32),
            pltpu.VMEM_SHARED((NP, DH), jnp.float32),
            pltpu.VMEM_SHARED((NP, R), jnp.float32),
            pltpu.SemaphoreType.DMA,
        ],
    )
    def k(x_hbm, src_hbm, dst_hbm, attr_hbm, out_hbm, outa_hbm,
          src_v, dst_v, rows_v, attr_v, z_v, za_v, acc, acca, sem):
        cid = lax.axis_index("c")
        sid = lax.axis_index("s")

        def zrow(i, _):
            def zcol(j, _):
                z_v[i, pl.ds(j * 16, 16)] = jnp.zeros((16,), jnp.float32)
                return 0
            lax.fori_loop(0, DH // 16, zcol, 0)
            za_v[i, pl.ds(0, 16)] = jnp.zeros((16,), jnp.float32)
            return 0
        lax.fori_loop(0, ZR, zrow, 0)

        row0 = sid * RPT
        def zacc(i, _):
            pltpu.sync_copy(z_v, acc.at[pl.ds(row0 + i * ZR, ZR)])
            pltpu.sync_copy(za_v, acca.at[pl.ds(row0 + i * ZR, ZR)])
            return 0
        lax.fori_loop(0, RPT // ZR, zacc, 0)

        pltpu.sync_copy(src_hbm.at[sid], src_v)
        pltpu.sync_copy(dst_hbm.at[sid], dst_v)

        plsc.subcore_barrier()

        ebase = sid * EPT

        def chunk(j, _):
            pltpu.async_copy(x_hbm.at[cid].at[src_v.at[j]], rows_v, sem).wait()
            pltpu.sync_copy(rows_v, acc.at[dst_v.at[j]], add=True)
            return 0
        lax.fori_loop(0, NCHUNK, chunk, 0)

        def achunk(jj, _):
            j = 2 * jj + cid
            pltpu.sync_copy(attr_hbm.at[pl.ds(ebase + j * C, C)], attr_v)
            pltpu.sync_copy(attr_v, acca.at[dst_v.at[j]], add=True)
            return 0
        lax.fori_loop(0, NCHUNK // 2, achunk, 0)

        plsc.subcore_barrier()

        pltpu.sync_copy(acc.at[pl.ds(row0, RPT)],
                        out_hbm.at[cid, pl.ds(row0, RPT)])
        pltpu.sync_copy(acca.at[pl.ds(row0, RPT)],
                        outa_hbm.at[cid, pl.ds(row0, RPT)])

    return k(xs, src, dst, edge_attr)


BN = 1024


def _combine(p, a, w):
    def body(p_ref, a_ref, w_ref, o_ref):
        asum = a_ref[0] + a_ref[1]
        aw = jnp.dot(asum, w_ref[...], preferred_element_type=jnp.float32)
        px = jnp.concatenate([p_ref[0], p_ref[1]], axis=-1)
        o_ref[...] = px + aw

    return pl.pallas_call(
        body,
        grid=(NP // BN,),
        in_specs=[
            pl.BlockSpec((NC, BN, DH), lambda i: (0, i, 0)),
            pl.BlockSpec((NC, BN, R), lambda i: (0, i, 0)),
            pl.BlockSpec((R, D), lambda i: (0, 0)),
        ],
        out_specs=pl.BlockSpec((BN, D), lambda i: (i, 0)),
        out_shape=jax.ShapeDtypeStruct((NP, D), jnp.float32),
    )(p, a, w)


def kernel(x, edge_index, edge_attr, W_edge, b_edge):
    x_b = x + b_edge[None, :]
    xs = jnp.transpose(x_b.reshape(N_NODES, NC, DH), (1, 0, 2))
    ei = edge_index.astype(jnp.int32)
    src = ei[0].reshape(NS, NCHUNK, C)
    dst = ei[1].reshape(NS, NCHUNK, C)
    p, a = _sc_scatter(xs, src, dst, edge_attr)
    return _combine(p, a, W_edge)[:N_NODES]

# --- scband reference (transcript-rebuilt; emitter-appended) ---
"""Pipeline reference for scband-dagnn-11897059410771 (READ-ONLY COPY).

The authoritative reference and input builder live on the scoring server;
editing this copy changes nothing except your own understanding.
"""

import jax, jax.numpy as jnp
import numpy as np

N_NODES = 10000
N_EDGES = 320000
D_FEAT = 128
NUM_REL = 16


def setup_inputs(seed: int = 0) -> dict:
    key = jax.random.key(seed)
    k1, k2, k3, k4, k5 = jax.random.split(key, 5)
    x = jax.random.normal(k1, (N_NODES, D_FEAT), dtype=jnp.float32)
    edge_index = jax.random.randint(k2, (2, N_EDGES), 0, N_NODES, dtype=jnp.int64)
    edge_attr = jax.random.uniform(k3, (N_EDGES, NUM_REL), dtype=jnp.float32)
    # edge_encoder = nn.Linear(num_relations, emb_dim)
    W_edge = jax.random.normal(k4, (NUM_REL, D_FEAT), dtype=jnp.float32) * (1.0 / np.sqrt(NUM_REL))
    b_edge = jax.random.normal(k5, (D_FEAT,), dtype=jnp.float32) * 0.01
    return {"x": x, "edge_index": edge_index, "edge_attr": edge_attr, "W_edge": W_edge, "b_edge": b_edge}


def reference(x, edge_index, edge_attr, W_edge, b_edge):
    # AggConv forward (agg='add', wea=True, flow='source_to_target'):
    #   edge_embedding = edge_encoder(edge_attr)
    #   message: x_j + edge_embedding  (x_j gathered from source nodes, edge_index[0])
    #   aggregate: scatter-add into target nodes (edge_index[1])
    src = edge_index[0]
    dst = edge_index[1]
    edge_embedding = edge_attr @ W_edge + b_edge  # [E, D]
    msg = jnp.take(x, src, axis=0) + edge_embedding  # gather + add, [E, D]
    out = jax.ops.segment_sum(msg, dst, num_segments=x.shape[0])  # scatter-add, [N, D]
    return out

if __name__ == "__main__":
    import jax
    _d = setup_inputs()
    print(jax.jit(kernel)(*tuple(_d.values())))

</pallas_src>

<mosaic_0001>
#map = affine_map<(d0, d1) -> (0, 0, 0)>
#map1 = affine_map<(d0, d1) -> (0, 0)>
module attributes {stable_mosaic.version = 14 : i64} {
  func.func @k(%arg0: i32, %arg1: i32, %arg2: memref<2x10000x64xf32, #tpu.memory_space<hbm>>, %arg3: memref<16x250x80xi32, #tpu.memory_space<hbm>>, %arg4: memref<16x250x80xi32, #tpu.memory_space<hbm>>, %arg5: memref<320000x16xf32, #tpu.memory_space<hbm>>, %arg6: memref<2x10240x64xf32, #tpu.memory_space<hbm>>, %arg7: memref<2x10240x16xf32, #tpu.memory_space<hbm>>, %arg8: memref<250x80xi32, #tpu.memory_space<vmem>>, %arg9: memref<250x80xi32, #tpu.memory_space<vmem>>, %arg10: memref<80x64xf32, #tpu.memory_space<vmem>>, %arg11: memref<80x16xf32, #tpu.memory_space<vmem>>, %arg12: memref<128x64xf32, #tpu.memory_space<vmem>>, %arg13: memref<128x16xf32, #tpu.memory_space<vmem>>, %arg14: memref<10240x64xf32, #tpu.memory_space<vmem_shared>>, %arg15: memref<10240x16xf32, #tpu.memory_space<vmem_shared>>, %arg16: memref<!tpu.dma_semaphore, #tpu.memory_space<semaphore_mem>>) attributes {dimension_semantics = [#tpu.dimension_semantics<core_parallel>, #tpu.dimension_semantics<subcore_parallel>], iteration_bounds = array<i64: 2, 16>, scalar_prefetch = 0 : i64, scratch_operands = 9 : i64, tpu.core_type = #tpu.core_type<sc_vector_subcore>, window_params = [{transform_indices = #map}, {transform_indices = #map}, {transform_indices = #map}, {transform_indices = #map1}, {transform_indices = #map}, {transform_indices = #map}]} {
    %scan3A = arith.constant 0 : i32
    %scan3A_0 = arith.constant 0 : i32
    %scan3A_1 = arith.constant 128 : i32
    %scan3A_2 = arith.addi %scan3A_0, %scan3A_1 : i32
    %scan3A_3 = arith.constant 1 : i32
    %scan3A_4 = scf.for %scan3A_31 = %scan3A_0 to %scan3A_2 step %scan3A_3 iter_args(%scan3A_32 = %scan3A) -> (i32)  : i32 {
      %scan3A_33 = arith.constant 0 : i32
      %scan3A_34 = arith.constant 0 : i32
      %scan3A_35 = arith.constant 4 : i32
      %scan3A_36 = arith.addi %scan3A_34, %scan3A_35 : i32
      %scan3A_37 = arith.constant 1 : i32
      %scan3A_38 = scf.for %scan3A_46 = %scan3A_34 to %scan3A_36 step %scan3A_37 iter_args(%scan3A_47 = %scan3A_33) -> (i32)  : i32 {
        %broadcast_in_dim3A_48 = arith.constant 0.000000e+00 : f32
        %broadcast_in_dim3A_49 = vector.broadcast %broadcast_in_dim3A_48 : f32 to vector<16xf32>
        %mul3A_50 = arith.constant 16 : i32
        %mul3A_51 = arith.muli %scan3A_46, %mul3A_50 : i32
        %swap3A_52 = arith.index_cast %scan3A_31 : i32 to index
        %swap3A_53 = arith.index_cast %mul3A_51 : i32 to index
        %swap3A_54 = tpu.vector_load %arg12[%swap3A_52, %swap3A_53] {strides = array<i32>} : memref<128x64xf32, #tpu.memory_space<vmem>>, vector<1x16xf32>,
        %swap3A_55 = vector.shape_cast %swap3A_54 : vector<1x16xf32> to vector<16xf32>
        %swap3A_56 = vector.shape_cast %broadcast_in_dim3A_49 : vector<16xf32> to vector<1x16xf32>
        tpu.vector_store %arg12[%swap3A_52, %swap3A_53], %swap3A_56 {strides = array<i32>} : memref<128x64xf32, #tpu.memory_space<vmem>>, vector<1x16xf32>,
        %scan3A_57 = arith.constant 0 : i32
        scf.yield %scan3A_57 : i32
      }
      %scan3A_39 = arith.constant 4 : i32
      %broadcast_in_dim3A = arith.constant 0.000000e+00 : f32
      %broadcast_in_dim3A_40 = vector.broadcast %broadcast_in_dim3A : f32 to vector<16xf32>
      %swap3A = arith.index_cast %scan3A_31 : i32 to index
      %swap3A_41 = arith.constant 0 : index
      %swap3A_42 = tpu.vector_load %arg13[%swap3A, %swap3A_41] {strides = array<i32>} : memref<128x16xf32, #tpu.memory_space<vmem>>, vector<1x16xf32>,
      %swap3A_43 = vector.shape_cast %swap3A_42 : vector<1x16xf32> to vector<16xf32>
      %swap3A_44 = vector.shape_cast %broadcast_in_dim3A_40 : vector<16xf32> to vector<1x16xf32>
      tpu.vector_store %arg13[%swap3A, %swap3A_41], %swap3A_44 {strides = array<i32>} : memref<128x16xf32, #tpu.memory_space<vmem>>, vector<1x16xf32>,
      %scan3A_45 = arith.constant 0 : i32
      scf.yield %scan3A_45 : i32
    }
    %scan3A_5 = arith.constant 128 : i32
    %mul3A = arith.constant 640 : i32
    %mul3A_6 = arith.muli %arg1, %mul3A : i32
    %scan3A_7 = arith.constant 0 : i32
    %scan3A_8 = arith.constant 0 : i32
    %scan3A_9 = arith.constant 5 : i32
    %scan3A_10 = arith.addi %scan3A_8, %scan3A_9 : i32
    %scan3A_11 = arith.constant 1 : i32
    %scan3A_12 = scf.for %scan3A_31 = %scan3A_8 to %scan3A_10 step %scan3A_11 iter_args(%scan3A_32 = %scan3A_7) -> (i32)  : i32 {
      %mul3A_33 = arith.constant 128 : i32
      %mul3A_34 = arith.muli %scan3A_31, %mul3A_33 : i32
      %add3A = arith.addi %mul3A_6, %mul3A_34 : i32
      "tpu.region"() ({
        %run_scoped3A = tpu.sem_alloc : memref<!tpu.dma_semaphore, #tpu.memory_space<semaphore_mem>>
        %dma_start3A = arith.constant 0 : i32
        %dma_start3A_39 = tpu.memref_slice %arg14[%add3A, %dma_start3A] : memref<10240x64xf32, #tpu.memory_space<vmem_shared>> -> memref<128x64xf32, #tpu.memory_space<vmem_shared>>
        %dma_start3A_40 = arith.constant 0 : i32
        %dma_start3A_41 = tpu.memref_slice %arg14[%add3A, %dma_start3A_40] : memref<10240x64xf32, #tpu.memory_space<vmem_shared>> -> memref<128x64xf32, #tpu.memory_space<vmem_shared>>
        tpu.enqueue_dma source(%arg12 : memref<128x64xf32, #tpu.memory_space<vmem>>) target(%dma_start3A_41 : memref<128x64xf32, #tpu.memory_space<vmem_shared>>) target_semaphore(%run_scoped3A : memref<!tpu.dma_semaphore, #tpu.memory_space<semaphore_mem>>)
        %dma_wait3A = arith.constant 0 : i32
        %dma_wait3A_42 = tpu.memref_slice %arg14[%add3A, %dma_wait3A] : memref<10240x64xf32, #tpu.memory_space<vmem_shared>> -> memref<128x64xf32, #tpu.memory_space<vmem_shared>>
        %dma_wait3A_43 = arith.constant 0 : i32
        %dma_wait3A_44 = tpu.memref_slice %arg14[%add3A, %dma_wait3A_43] : memref<10240x64xf32, #tpu.memory_space<vmem_shared>> -> memref<128x64xf32, #tpu.memory_space<vmem_shared>>
        tpu.wait_dma2 semaphore(%run_scoped3A : memref<!tpu.dma_semaphore, #tpu.memory_space<semaphore_mem>>) src(%arg12 : memref<128x64xf32, #tpu.memory_space<vmem>>) dst(%dma_wait3A_44 : memref<128x64xf32, #tpu.memory_space<vmem_shared>>)
        tpu.yield
      }) : () -> ()
      %mul3A_35 = arith.constant 128 : i32
      %mul3A_36 = arith.muli %scan3A_31, %mul3A_35 : i32
      %add3A_37 = arith.addi %mul3A_6, %mul3A_36 : i32
      "tpu.region"() ({
        %run_scoped3A = tpu.sem_alloc : memref<!tpu.dma_semaphore, #tpu.memory_space<semaphore_mem>>
        %dma_start3A = arith.constant 0 : i32
        %dma_start3A_39 = tpu.memref_slice %arg15[%add3A_37, %dma_start3A] : memref<10240x16xf32, #tpu.memory_space<vmem_shared>> -> memref<128x16xf32, #tpu.memory_space<vmem_shared>>
        %dma_start3A_40 = arith.constant 0 : i32
        %dma_start3A_41 = tpu.memref_slice %arg15[%add3A_37, %dma_start3A_40] : memref<10240x16xf32, #tpu.memory_space<vmem_shared>> -> memref<128x16xf32, #tpu.memory_space<vmem_shared>>
        tpu.enqueue_dma source(%arg13 : memref<128x16xf32, #tpu.memory_space<vmem>>) target(%dma_start3A_41 : memref<128x16xf32, #tpu.memory_space<vmem_shared>>) target_semaphore(%run_scoped3A : memref<!tpu.dma_semaphore, #tpu.memory_space<semaphore_mem>>)
        %dma_wait3A = arith.constant 0 : i32
        %dma_wait3A_42 = tpu.memref_slice %arg15[%add3A_37, %dma_wait3A] : memref<10240x16xf32, #tpu.memory_space<vmem_shared>> -> memref<128x16xf32, #tpu.memory_space<vmem_shared>>
        %dma_wait3A_43 = arith.constant 0 : i32
        %dma_wait3A_44 = tpu.memref_slice %arg15[%add3A_37, %dma_wait3A_43] : memref<10240x16xf32, #tpu.memory_space<vmem_shared>> -> memref<128x16xf32, #tpu.memory_space<vmem_shared>>
        tpu.wait_dma2 semaphore(%run_scoped3A : memref<!tpu.dma_semaphore, #tpu.memory_space<semaphore_mem>>) src(%arg13 : memref<128x16xf32, #tpu.memory_space<vmem>>) dst(%dma_wait3A_44 : memref<128x16xf32, #tpu.memory_space<vmem_shared>>)
        tpu.yield
      }) : () -> ()
      %scan3A_38 = arith.constant 0 : i32
      scf.yield %scan3A_38 : i32
    }
    %scan3A_13 = arith.constant 5 : i32
    "tpu.region"() ({
      %run_scoped3A = tpu.sem_alloc : memref<!tpu.dma_semaphore, #tpu.memory_space<semaphore_mem>>
      %dma_start3A = arith.constant 0 : i32
      %dma_start3A_31 = arith.constant 0 : i32
      %dma_start3A_32 = tpu.memref_slice %arg3[%arg1, %dma_start3A, %dma_start3A_31] : memref<16x250x80xi32, #tpu.memory_space<hbm>> -> memref<1x250x80xi32, #tpu.memory_space<hbm>>
      %dma_start3A_33 = tpu.memref_squeeze %dma_start3A_32 : memref<1x250x80xi32, #tpu.memory_space<hbm>> -> memref<250x80xi32, #tpu.memory_space<hbm>>
      %dma_start3A_34 = arith.constant 0 : i32
      %dma_start3A_35 = arith.constant 0 : i32
      %dma_start3A_36 = tpu.memref_slice %arg3[%arg1, %dma_start3A_34, %dma_start3A_35] : memref<16x250x80xi32, #tpu.memory_space<hbm>> -> memref<1x250x80xi32, #tpu.memory_space<hbm>>
      %dma_start3A_37 = tpu.memref_squeeze %dma_start3A_36 : memref<1x250x80xi32, #tpu.memory_space<hbm>> -> memref<250x80xi32, #tpu.memory_space<hbm>>
      tpu.enqueue_dma source(%dma_start3A_37 : memref<250x80xi32, #tpu.memory_space<hbm>>) target(%arg8 : memref<250x80xi32, #tpu.memory_space<vmem>>) target_semaphore(%run_scoped3A : memref<!tpu.dma_semaphore, #tpu.memory_space<semaphore_mem>>)
      %dma_wait3A = arith.constant 0 : i32
      %dma_wait3A_38 = arith.constant 0 : i32
      %dma_wait3A_39 = tpu.memref_slice %arg3[%arg1, %dma_wait3A, %dma_wait3A_38] : memref<16x250x80xi32, #tpu.memory_space<hbm>> -> memref<1x250x80xi32, #tpu.memory_space<hbm>>
      %dma_wait3A_40 = tpu.memref_squeeze %dma_wait3A_39 : memref<1x250x80xi32, #tpu.memory_space<hbm>> -> memref<250x80xi32, #tpu.memory_space<hbm>>
      %dma_wait3A_41 = arith.constant 0 : i32
      %dma_wait3A_42 = arith.constant 0 : i32
      %dma_wait3A_43 = tpu.memref_slice %arg3[%arg1, %dma_wait3A_41, %dma_wait3A_42] : memref<16x250x80xi32, #tpu.memory_space<hbm>> -> memref<1x250x80xi32, #tpu.memory_space<hbm>>
      %dma_wait3A_44 = tpu.memref_squeeze %dma_wait3A_43 : memref<1x250x80xi32, #tpu.memory_space<hbm>> -> memref<250x80xi32, #tpu.memory_space<hbm>>
      tpu.wait_dma2 semaphore(%run_scoped3A : memref<!tpu.dma_semaphore, #tpu.memory_space<semaphore_mem>>) src(%dma_wait3A_44 : memref<250x80xi32, #tpu.memory_space<hbm>>) dst(%arg8 : memref<250x80xi32, #tpu.memory_space<vmem>>)
      tpu.yield
    }) : () -> ()
    "tpu.region"() ({
      %run_scoped3A = tpu.sem_alloc : memref<!tpu.dma_semaphore, #tpu.memory_space<semaphore_mem>>
      %dma_start3A = arith.constant 0 : i32
      %dma_start3A_31 = arith.constant 0 : i32
      %dma_start3A_32 = tpu.memref_slice %arg4[%arg1, %dma_start3A, %dma_start3A_31] : memref<16x250x80xi32, #tpu.memory_space<hbm>> -> memref<1x250x80xi32, #tpu.memory_space<hbm>>
      %dma_start3A_33 = tpu.memref_squeeze %dma_start3A_32 : memref<1x250x80xi32, #tpu.memory_space<hbm>> -> memref<250x80xi32, #tpu.memory_space<hbm>>
      %dma_start3A_34 = arith.constant 0 : i32
      %dma_start3A_35 = arith.constant 0 : i32
      %dma_start3A_36 = tpu.memref_slice %arg4[%arg1, %dma_start3A_34, %dma_start3A_35] : memref<16x250x80xi32, #tpu.memory_space<hbm>> -> memref<1x250x80xi32, #tpu.memory_space<hbm>>
      %dma_start3A_37 = tpu.memref_squeeze %dma_start3A_36 : memref<1x250x80xi32, #tpu.memory_space<hbm>> -> memref<250x80xi32, #tpu.memory_space<hbm>>
      tpu.enqueue_dma source(%dma_start3A_37 : memref<250x80xi32, #tpu.memory_space<hbm>>) target(%arg9 : memref<250x80xi32, #tpu.memory_space<vmem>>) target_semaphore(%run_scoped3A : memref<!tpu.dma_semaphore, #tpu.memory_space<semaphore_mem>>)
      %dma_wait3A = arith.constant 0 : i32
      %dma_wait3A_38 = arith.constant 0 : i32
      %dma_wait3A_39 = tpu.memref_slice %arg4[%arg1, %dma_wait3A, %dma_wait3A_38] : memref<16x250x80xi32, #tpu.memory_space<hbm>> -> memref<1x250x80xi32, #tpu.memory_space<hbm>>
      %dma_wait3A_40 = tpu.memref_squeeze %dma_wait3A_39 : memref<1x250x80xi32, #tpu.memory_space<hbm>> -> memref<250x80xi32, #tpu.memory_space<hbm>>
      %dma_wait3A_41 = arith.constant 0 : i32
      %dma_wait3A_42 = arith.constant 0 : i32
      %dma_wait3A_43 = tpu.memref_slice %arg4[%arg1, %dma_wait3A_41, %dma_wait3A_42] : memref<16x250x80xi32, #tpu.memory_space<hbm>> -> memref<1x250x80xi32, #tpu.memory_space<hbm>>
      %dma_wait3A_44 = tpu.memref_squeeze %dma_wait3A_43 : memref<1x250x80xi32, #tpu.memory_space<hbm>> -> memref<250x80xi32, #tpu.memory_space<hbm>>
      tpu.wait_dma2 semaphore(%run_scoped3A : memref<!tpu.dma_semaphore, #tpu.memory_space<semaphore_mem>>) src(%dma_wait3A_44 : memref<250x80xi32, #tpu.memory_space<hbm>>) dst(%arg9 : memref<250x80xi32, #tpu.memory_space<vmem>>)
      tpu.yield
    }) : () -> ()
    %barrier3A = arith.constant 0 : index
    tpu.barrier barrier_id(%barrier3A)
    %mul3A_14 = arith.constant 20000 : i32
    %mul3A_15 = arith.muli %arg1, %mul3A_14 : i32
    %scan3A_16 = arith.constant 0 : i32
    %scan3A_17 = arith.constant 0 : i32
    %scan3A_18 = arith.constant 250 : i32
    %scan3A_19 = arith.addi %scan3A_17, %scan3A_18 : i32
    %scan3A_20 = arith.constant 1 : i32
    %scan3A_21 = scf.for %scan3A_31 = %scan3A_17 to %scan3A_19 step %scan3A_20 iter_args(%scan3A_32 = %scan3A_16) -> (i32)  : i32 {
      %dma_start3A = arith.constant 0 : i32
      %dma_start3A_33 = tpu.memref_slice %arg8[%scan3A_31, %dma_start3A] : memref<250x80xi32, #tpu.memory_space<vmem>> -> memref<1x80xi32, #tpu.memory_space<vmem>>
      %dma_start3A_34 = tpu.memref_squeeze %dma_start3A_33 : memref<1x80xi32, #tpu.memory_space<vmem>> -> memref<80xi32, #tpu.memory_space<vmem>>
      %dma_start3A_35 = arith.constant 0 : i32
      %dma_start3A_36 = arith.constant 0 : i32
      %dma_start3A_37 = tpu.memref_slice %arg2[%arg0, %dma_start3A_35, %dma_start3A_36] : memref<2x10000x64xf32, #tpu.memory_space<hbm>> -> memref<1x10000x64xf32, #tpu.memory_space<hbm>>
      %dma_start3A_38 = tpu.memref_squeeze %dma_start3A_37 : memref<1x10000x64xf32, #tpu.memory_space<hbm>> -> memref<10000x64xf32, #tpu.memory_space<hbm>>
      %dma_start3A_39 = arith.constant 0 : i32
      %dma_start3A_40 = arith.constant 0 : i32
      %dma_start3A_41 = tpu.memref_slice %dma_start3A_38[%dma_start3A_39, %dma_start3A_40] : memref<10000x64xf32, #tpu.memory_space<hbm>> -> memref<10000x64xf32, #tpu.memory_space<hbm>>
      tpu.enqueue_indirect_dma source(%dma_start3A_41 : memref<10000x64xf32, #tpu.memory_space<hbm>>) target(%arg10 : memref<80x64xf32, #tpu.memory_space<vmem>>) offsets(%dma_start3A_34 : memref<80xi32, #tpu.memory_space<vmem>>) semaphore(%arg16 : memref<!tpu.dma_semaphore, #tpu.memory_space<semaphore_mem>>)
      %dma_wait3A = arith.constant 0 : i32
      %dma_wait3A_42 = tpu.memref_slice %arg8[%scan3A_31, %dma_wait3A] : memref<250x80xi32, #tpu.memory_space<vmem>> -> memref<1x80xi32, #tpu.memory_space<vmem>>
      %dma_wait3A_43 = tpu.memref_squeeze %dma_wait3A_42 : memref<1x80xi32, #tpu.memory_space<vmem>> -> memref<80xi32, #tpu.memory_space<vmem>>
      %dma_wait3A_44 = arith.constant 0 : i32
      %dma_wait3A_45 = arith.constant 0 : i32
      %dma_wait3A_46 = tpu.memref_slice %arg2[%arg0, %dma_wait3A_44, %dma_wait3A_45] : memref<2x10000x64xf32, #tpu.memory_space<hbm>> -> memref<1x10000x64xf32, #tpu.memory_space<hbm>>
      %dma_wait3A_47 = tpu.memref_squeeze %dma_wait3A_46 : memref<1x10000x64xf32, #tpu.memory_space<hbm>> -> memref<10000x64xf32, #tpu.memory_space<hbm>>
      %dma_wait3A_48 = arith.constant 0 : i32
      %dma_wait3A_49 = arith.constant 0 : i32
      %dma_wait3A_50 = tpu.memref_slice %dma_wait3A_47[%dma_wait3A_48, %dma_wait3A_49] : memref<10000x64xf32, #tpu.memory_space<hbm>> -> memref<10000x64xf32, #tpu.memory_space<hbm>>
      tpu.wait_indirect_dma semaphore(%arg16 : memref<!tpu.dma_semaphore, #tpu.memory_space<semaphore_mem>>) src(%dma_wait3A_50 : memref<10000x64xf32, #tpu.memory_space<hbm>>) dst(%arg10 : memref<80x64xf32, #tpu.memory_space<vmem>>)
      "tpu.region"() ({
        %run_scoped3A = tpu.sem_alloc : memref<!tpu.dma_semaphore, #tpu.memory_space<semaphore_mem>>
        %dma_start3A_52 = arith.constant 0 : i32
        %dma_start3A_53 = tpu.memref_slice %arg9[%scan3A_31, %dma_start3A_52] : memref<250x80xi32, #tpu.memory_space<vmem>> -> memref<1x80xi32, #tpu.memory_space<vmem>>
        %dma_start3A_54 = tpu.memref_squeeze %dma_start3A_53 : memref<1x80xi32, #tpu.memory_space<vmem>> -> memref<80xi32, #tpu.memory_space<vmem>>
        %dma_start3A_55 = arith.constant 0 : i32
        %dma_start3A_56 = arith.constant 0 : i32
        %dma_start3A_57 = tpu.memref_slice %arg14[%dma_start3A_55, %dma_start3A_56] : memref<10240x64xf32, #tpu.memory_space<vmem_shared>> -> memref<10240x64xf32, #tpu.memory_space<vmem_shared>>
        tpu.enqueue_indirect_dma source(%arg10 : memref<80x64xf32, #tpu.memory_space<vmem>>) target(%dma_start3A_57 : memref<10240x64xf32, #tpu.memory_space<vmem_shared>>) offsets(%dma_start3A_54 : memref<80xi32, #tpu.memory_space<vmem>>) semaphore(%run_scoped3A : memref<!tpu.dma_semaphore, #tpu.memory_space<semaphore_mem>>) {add = true}
        %dma_wait3A_58 = arith.constant 0 : i32
        %dma_wait3A_59 = tpu.memref_slice %arg9[%scan3A_31, %dma_wait3A_58] : memref<250x80xi32, #tpu.memory_space<vmem>> -> memref<1x80xi32, #tpu.memory_space<vmem>>
        %dma_wait3A_60 = tpu.memref_squeeze %dma_wait3A_59 : memref<1x80xi32, #tpu.memory_space<vmem>> -> memref<80xi32, #tpu.memory_space<vmem>>
        %dma_wait3A_61 = arith.constant 0 : i32
        %dma_wait3A_62 = arith.constant 0 : i32
        %dma_wait3A_63 = tpu.memref_slice %arg14[%dma_wait3A_61, %dma_wait3A_62] : memref<10240x64xf32, #tpu.memory_space<vmem_shared>> -> memref<10240x64xf32, #tpu.memory_space<vmem_shared>>
        tpu.wait_indirect_dma semaphore(%run_scoped3A : memref<!tpu.dma_semaphore, #tpu.memory_space<semaphore_mem>>) src(%arg10 : memref<80x64xf32, #tpu.memory_space<vmem>>) dst(%dma_wait3A_63 : memref<10240x64xf32, #tpu.memory_space<vmem_shared>>)
        tpu.yield
      }) : () -> ()
      %scan3A_51 = arith.constant 0 : i32
      scf.yield %scan3A_51 : i32
    }
    %scan3A_22 = arith.constant 250 : i32
    %scan3A_23 = arith.constant 0 : i32
    %scan3A_24 = arith.constant 0 : i32
    %scan3A_25 = arith.constant 125 : i32
    %scan3A_26 = arith.addi %scan3A_24, %scan3A_25 : i32
    %scan3A_27 = arith.constant 1 : i32
    %scan3A_28 = scf.for %scan3A_31 = %scan3A_24 to %scan3A_26 step %scan3A_27 iter_args(%scan3A_32 = %scan3A_23) -> (i32)  : i32 {
      %mul3A_33 = arith.constant 2 : i32
      %mul3A_34 = arith.muli %mul3A_33, %scan3A_31 : i32
      %add3A = arith.addi %mul3A_34, %arg0 : i32
      %mul3A_35 = arith.constant 80 : i32
      %mul3A_36 = arith.muli %add3A, %mul3A_35 : i32
      %add3A_37 = arith.addi %mul3A_15, %mul3A_36 : i32
      "tpu.region"() ({
        %run_scoped3A = tpu.sem_alloc : memref<!tpu.dma_semaphore, #tpu.memory_space<semaphore_mem>>
        %dma_start3A = arith.constant 0 : i32
        %dma_start3A_39 = tpu.memref_slice %arg5[%add3A_37, %dma_start3A] : memref<320000x16xf32, #tpu.memory_space<hbm>> -> memref<80x16xf32, #tpu.memory_space<hbm>>
        %dma_start3A_40 = arith.constant 0 : i32
        %dma_start3A_41 = tpu.memref_slice %arg5[%add3A_37, %dma_start3A_40] : memref<320000x16xf32, #tpu.memory_space<hbm>> -> memref<80x16xf32, #tpu.memory_space<hbm>>
        tpu.enqueue_dma source(%dma_start3A_41 : memref<80x16xf32, #tpu.memory_space<hbm>>) target(%arg11 : memref<80x16xf32, #tpu.memory_space<vmem>>) target_semaphore(%run_scoped3A : memref<!tpu.dma_semaphore, #tpu.memory_space<semaphore_mem>>)
        %dma_wait3A = arith.constant 0 : i32
        %dma_wait3A_42 = tpu.memref_slice %arg5[%add3A_37, %dma_wait3A] : memref<320000x16xf32, #tpu.memory_space<hbm>> -> memref<80x16xf32, #tpu.memory_space<hbm>>
        %dma_wait3A_43 = arith.constant 0 : i32
        %dma_wait3A_44 = tpu.memref_slice %arg5[%add3A_37, %dma_wait3A_43] : memref<320000x16xf32, #tpu.memory_space<hbm>> -> memref<80x16xf32, #tpu.memory_space<hbm>>
        tpu.wait_dma2 semaphore(%run_scoped3A : memref<!tpu.dma_semaphore, #tpu.memory_space<semaphore_mem>>) src(%dma_wait3A_44 : memref<80x16xf32, #tpu.memory_space<hbm>>) dst(%arg11 : memref<80x16xf32, #tpu.memory_space<vmem>>)
        tpu.yield
      }) : () -> ()
      "tpu.region"() ({
        %run_scoped3A = tpu.sem_alloc : memref<!tpu.dma_semaphore, #tpu.memory_space<semaphore_mem>>
        %dma_start3A = arith.constant 0 : i32
        %dma_start3A_39 = tpu.memref_slice %arg9[%add3A, %dma_start3A] : memref<250x80xi32, #tpu.memory_space<vmem>> -> memref<1x80xi32, #tpu.memory_space<vmem>>
        %dma_start3A_40 = tpu.memref_squeeze %dma_start3A_39 : memref<1x80xi32, #tpu.memory_space<vmem>> -> memref<80xi32, #tpu.memory_space<vmem>>
        %dma_start3A_41 = arith.constant 0 : i32
        %dma_start3A_42 = arith.constant 0 : i32
        %dma_start3A_43 = tpu.memref_slice %arg15[%dma_start3A_41, %dma_start3A_42] : memref<10240x16xf32, #tpu.memory_space<vmem_shared>> -> memref<10240x16xf32, #tpu.memory_space<vmem_shared>>
        tpu.enqueue_indirect_dma source(%arg11 : memref<80x16xf32, #tpu.memory_space<vmem>>) target(%dma_start3A_43 : memref<10240x16xf32, #tpu.memory_space<vmem_shared>>) offsets(%dma_start3A_40 : memref<80xi32, #tpu.memory_space<vmem>>) semaphore(%run_scoped3A : memref<!tpu.dma_semaphore, #tpu.memory_space<semaphore_mem>>) {add = true}
        %dma_wait3A = arith.constant 0 : i32
        %dma_wait3A_44 = tpu.memref_slice %arg9[%add3A, %dma_wait3A] : memref<250x80xi32, #tpu.memory_space<vmem>> -> memref<1x80xi32, #tpu.memory_space<vmem>>
        %dma_wait3A_45 = tpu.memref_squeeze %dma_wait3A_44 : memref<1x80xi32, #tpu.memory_space<vmem>> -> memref<80xi32, #tpu.memory_space<vmem>>
        %dma_wait3A_46 = arith.constant 0 : i32
        %dma_wait3A_47 = arith.constant 0 : i32
        %dma_wait3A_48 = tpu.memref_slice %arg15[%dma_wait3A_46, %dma_wait3A_47] : memref<10240x16xf32, #tpu.memory_space<vmem_shared>> -> memref<10240x16xf32, #tpu.memory_space<vmem_shared>>
        tpu.wait_indirect_dma semaphore(%run_scoped3A : memref<!tpu.dma_semaphore, #tpu.memory_space<semaphore_mem>>) src(%arg11 : memref<80x16xf32, #tpu.memory_space<vmem>>) dst(%dma_wait3A_48 : memref<10240x16xf32, #tpu.memory_space<vmem_shared>>)
        tpu.yield
      }) : () -> ()
      %scan3A_38 = arith.constant 0 : i32
      scf.yield %scan3A_38 : i32
    }
    %scan3A_29 = arith.constant 125 : i32
    %barrier3A_30 = arith.constant 0 : index
    tpu.barrier barrier_id(%barrier3A_30)
    "tpu.region"() ({
      %run_scoped3A = tpu.sem_alloc : memref<!tpu.dma_semaphore, #tpu.memory_space<semaphore_mem>>
      %dma_start3A = arith.constant 0 : i32
      %dma_start3A_31 = tpu.memref_slice %arg6[%arg0, %mul3A_6, %dma_start3A] : memref<2x10240x64xf32, #tpu.memory_space<hbm>> -> memref<1x640x64xf32, #tpu.memory_space<hbm>>
      %dma_start3A_32 = tpu.memref_squeeze %dma_start3A_31 : memref<1x640x64xf32, #tpu.memory_space<hbm>> -> memref<640x64xf32, #tpu.memory_space<hbm>>
      %dma_start3A_33 = arith.constant 0 : i32
      %dma_start3A_34 = tpu.memref_slice %arg14[%mul3A_6, %dma_start3A_33] : memref<10240x64xf32, #tpu.memory_space<vmem_shared>> -> memref<640x64xf32, #tpu.memory_space<vmem_shared>>
      tpu.enqueue_dma source(%dma_start3A_34 : memref<640x64xf32, #tpu.memory_space<vmem_shared>>) target(%dma_start3A_32 : memref<640x64xf32, #tpu.memory_space<hbm>>) target_semaphore(%run_scoped3A : memref<!tpu.dma_semaphore, #tpu.memory_space<semaphore_mem>>)
      %dma_wait3A = arith.constant 0 : i32
      %dma_wait3A_35 = tpu.memref_slice %arg6[%arg0, %mul3A_6, %dma_wait3A] : memref<2x10240x64xf32, #tpu.memory_space<hbm>> -> memref<1x640x64xf32, #tpu.memory_space<hbm>>
      %dma_wait3A_36 = tpu.memref_squeeze %dma_wait3A_35 : memref<1x640x64xf32, #tpu.memory_space<hbm>> -> memref<640x64xf32, #tpu.memory_space<hbm>>
      %dma_wait3A_37 = arith.constant 0 : i32
      %dma_wait3A_38 = tpu.memref_slice %arg14[%mul3A_6, %dma_wait3A_37] : memref<10240x64xf32, #tpu.memory_space<vmem_shared>> -> memref<640x64xf32, #tpu.memory_space<vmem_shared>>
      tpu.wait_dma2 semaphore(%run_scoped3A : memref<!tpu.dma_semaphore, #tpu.memory_space<semaphore_mem>>) src(%dma_wait3A_38 : memref<640x64xf32, #tpu.memory_space<vmem_shared>>) dst(%dma_wait3A_36 : memref<640x64xf32, #tpu.memory_space<hbm>>)
      tpu.yield
    }) : () -> ()
    "tpu.region"() ({
      %run_scoped3A = tpu.sem_alloc : memref<!tpu.dma_semaphore, #tpu.memory_space<semaphore_mem>>
      %dma_start3A = arith.constant 0 : i32
      %dma_start3A_31 = tpu.memref_slice %arg7[%arg0, %mul3A_6, %dma_start3A] : memref<2x10240x16xf32, #tpu.memory_space<hbm>> -> memref<1x640x16xf32, #tpu.memory_space<hbm>>
      %dma_start3A_32 = tpu.memref_squeeze %dma_start3A_31 : memref<1x640x16xf32, #tpu.memory_space<hbm>> -> memref<640x16xf32, #tpu.memory_space<hbm>>
      %dma_start3A_33 = arith.constant 0 : i32
      %dma_start3A_34 = tpu.memref_slice %arg15[%mul3A_6, %dma_start3A_33] : memref<10240x16xf32, #tpu.memory_space<vmem_shared>> -> memref<640x16xf32, #tpu.memory_space<vmem_shared>>
      tpu.enqueue_dma source(%dma_start3A_34 : memref<640x16xf32, #tpu.memory_space<vmem_shared>>) target(%dma_start3A_32 : memref<640x16xf32, #tpu.memory_space<hbm>>) target_semaphore(%run_scoped3A : memref<!tpu.dma_semaphore, #tpu.memory_space<semaphore_mem>>)
      %dma_wait3A = arith.constant 0 : i32
      %dma_wait3A_35 = tpu.memref_slice %arg7[%arg0, %mul3A_6, %dma_wait3A] : memref<2x10240x16xf32, #tpu.memory_space<hbm>> -> memref<1x640x16xf32, #tpu.memory_space<hbm>>
      %dma_wait3A_36 = tpu.memref_squeeze %dma_wait3A_35 : memref<1x640x16xf32, #tpu.memory_space<hbm>> -> memref<640x16xf32, #tpu.memory_space<hbm>>
      %dma_wait3A_37 = arith.constant 0 : i32
      %dma_wait3A_38 = tpu.memref_slice %arg15[%mul3A_6, %dma_wait3A_37] : memref<10240x16xf32, #tpu.memory_space<vmem_shared>> -> memref<640x16xf32, #tpu.memory_space<vmem_shared>>
      tpu.wait_dma2 semaphore(%run_scoped3A : memref<!tpu.dma_semaphore, #tpu.memory_space<semaphore_mem>>) src(%dma_wait3A_38 : memref<640x16xf32, #tpu.memory_space<vmem_shared>>) dst(%dma_wait3A_36 : memref<640x16xf32, #tpu.memory_space<hbm>>)
      tpu.yield
    }) : () -> ()
    return
  }
}

module attributes {stable_mosaic.version = 14 : i64} {
  func.func @body(%arg0: i32, %arg1: memref<2x1024x64xf32, #tpu.memory_space<vmem>>, %arg2: memref<2x1024x16xf32, #tpu.memory_space<vmem>>, %arg3: memref<16x128xf32, #tpu.memory_space<vmem>>, %arg4: memref<1024x128xf32, #tpu.memory_space<vmem>>) attributes {dimension_semantics = [#tpu.dimension_semantics<arbitrary>], iteration_bounds = array<i64: 10>, scalar_prefetch = 0 : i64, scratch_operands = 0 : i64, tpu.core_type = #tpu.core_type<tc>, window_params = [{transform_indices = @transform_0, window_bounds = array<i64: 2, 1024, 64>}, {transform_indices = @transform_1, window_bounds = array<i64: 2, 1024, 16>}, {pipeline_mode = #tpu.pipeline_mode<synchronous>, transform_indices = @transform_2, window_bounds = array<i64: 16, 128>}, {transform_indices = @transform_3, window_bounds = array<i64: 1024, 128>}]} {
    %get3A = arith.constant 0 : index
    %get3A_0 = arith.constant 0 : index
    %get3A_1 = arith.constant 0 : index
    %get3A_2 = vector.load %arg2[%get3A, %get3A_0, %get3A_1] : memref<2x1024x16xf32, #tpu.memory_space<vmem>>, vector<1x1024x16xf32>
    %get3A_3 = vector.shape_cast %get3A_2 : vector<1x1024x16xf32> to vector<1024x16xf32>
    %get3A_4 = arith.constant 1 : index
    %get3A_5 = arith.constant 0 : index
    %get3A_6 = arith.constant 0 : index
    %get3A_7 = vector.load %arg2[%get3A_4, %get3A_5, %get3A_6] : memref<2x1024x16xf32, #tpu.memory_space<vmem>>, vector<1x1024x16xf32>
    %get3A_8 = vector.shape_cast %get3A_7 : vector<1x1024x16xf32> to vector<1024x16xf32>
    %add3A = arith.addf %get3A_3, %get3A_8 : vector<1024x16xf32>
    %get3A_9 = arith.constant 0 : index
    %get3A_10 = arith.constant 0 : index
    %get3A_11 = vector.load %arg3[%get3A_9, %get3A_10] : memref<16x128xf32, #tpu.memory_space<vmem>>, vector<16x128xf32>
    %dot_general3A = arith.constant dense<0.000000e+00> : vector<1024x128xf32>
    %dot_general3A_12 = tpu.matmul %add3A, %get3A_11, %dot_general3A {dimension_numbers = #tpu.dot_dimension_numbers<[1], [0], [0], [1], [0, 0, 1, 1], [], []>, transpose_lhs_hint = false} : vector<1024x16xf32>, vector<16x128xf32>, vector<1024x128xf32> -> vector<1024x128xf32>
    %get3A_13 = arith.constant 0 : index
    %get3A_14 = arith.constant 0 : index
    %get3A_15 = arith.constant 0 : index
    %get3A_16 = vector.load %arg1[%get3A_13, %get3A_14, %get3A_15] : memref<2x1024x64xf32, #tpu.memory_space<vmem>>, vector<1x1024x64xf32>
    %get3A_17 = vector.shape_cast %get3A_16 : vector<1x1024x64xf32> to vector<1024x64xf32>
    %get3A_18 = arith.constant 1 : index
    %get3A_19 = arith.constant 0 : index
    %get3A_20 = arith.constant 0 : index
    %get3A_21 = vector.load %arg1[%get3A_18, %get3A_19, %get3A_20] : memref<2x1024x64xf32, #tpu.memory_space<vmem>>, vector<1x1024x64xf32>
    %get3A_22 = vector.shape_cast %get3A_21 : vector<1x1024x64xf32> to vector<1024x64xf32>
    %concatenate3A = tpu.concatenate %get3A_17, %get3A_22 in 1 : vector<1024x64xf32>, vector<1024x64xf32> -> vector<1024x128xf32>
    %add3A_23 = arith.addf %concatenate3A, %dot_general3A_12 : vector<1024x128xf32>
    %swap3A = arith.constant 0 : index
    %swap3A_24 = arith.constant 0 : index
    %swap3A_25 = vector.load %arg4[%swap3A, %swap3A_24] : memref<1024x128xf32, #tpu.memory_space<vmem>>, vector<1024x128xf32>
    tpu.vector_store %arg4[%swap3A, %swap3A_24], %add3A_23 {strides = array<i32>} : memref<1024x128xf32, #tpu.memory_space<vmem>>, vector<1024x128xf32>,
    return
  }
  func.func @transform_0(%arg0: i32) -> (i32, i32, i32) {
    %c0_i32 = arith.constant 0 : i32
    %c0_i32_0 = arith.constant 0 : i32
    %c0_i32_1 = arith.constant 0 : i32
    return %c0_i32, %arg0, %c0_i32_0 : i32, i32, i32
  }
  func.func @transform_1(%arg0: i32) -> (i32, i32, i32) {
    %c0_i32 = arith.constant 0 : i32
    %c0_i32_0 = arith.constant 0 : i32
    %c0_i32_1 = arith.constant 0 : i32
    return %c0_i32, %arg0, %c0_i32_0 : i32, i32, i32
  }
  func.func @transform_2(%arg0: i32) -> (i32, i32) {
    %c0_i32 = arith.constant 0 : i32
    %c0_i32_0 = arith.constant 0 : i32
    %c0_i32_1 = arith.constant 0 : i32
    return %c0_i32, %c0_i32_0 : i32, i32
  }
  func.func @transform_3(%arg0: i32) -> (i32, i32) {
    %c0_i32 = arith.constant 0 : i32
    %c0_i32_0 = arith.constant 0 : i32
    return %arg0, %c0_i32 : i32, i32
  }
}

</mosaic_0001>

<sc_bundles>
// kernel: kernel.4.cloned.1.call-start
scs
__scs_entry_jumppad:
0x0: {  	(pc) =	sbr.rel $0x88, $3  }
0x1: {  	(tag) =	ssettag $0x0;
	lr =	simm.s32 $0x1  }
0x2: {  	[smem:$0x3F9C] =	sst lr;
	_ =	strace $0xD0000000  }
0x3: {  	_ = 	snop  }
0x4: {  	_ = 	snop  }
0x5: {  	_ = 	snop  }
0x6: {  	_ = 	snop  }
0x7: {  	_ = 	snop  }
__scs_overlays_trampoline_lowered:
0x8: {  	[smem:$0x3FAB] =	sst s0  }
0x9: {  	[smem:$0x3FAC] =	sst s1  }
0xa: {  	[smem:$0x3FAD] =	sst s2  }
0xb: {  	[smem:$0x3FAE] =	sst s3  }
0xc: {  	[smem:$0x3FAF] =	sst s4  }
0xd: {  	[smem:$0x3FB0] =	sst s5  }
0xe: {  	[smem:$0x3FB1] =	sst s6  }
0xf: {  	[smem:$0x3FB2] =	sst s7  }
0x10: {  	[smem:$0x3FB3] =	sst s8  }
0x11: {  	[smem:$0x3FB4] =	sst s9;
	s0 =	simm.s32 @!p0 $0x0  }
0x12: {  	s1 =	sld [smem:$0x3F9A];
	s0 =	simm.s32 @p0 $0x1  }
0x13: {  	[smem:$0x3FB5] =	sst s0;
	s0 =	simm.s32 @!p1 $0x0  }
0x14: {  	s2 =	sld [smem:$0x3F99];
	s0 =	simm.s32 @p1 $0x1  }
0x15: {  	[smem:$0x3FB6] =	sst s0;
	s0 =	simm.s32 @!p2 $0x0  }
0x16: {  	s3 =	sld [smem:$0x3FDB];
	s0 =	simm.s32 @p2 $0x1  }
0x17: {  	s4 =	simm.s32 $0x1BF5;
	[smem:$0x3FB8] =	sst s0  }
0x18: {  	s0 =	sld [smem:$0x3F9B];
	_ =	swait.ge [sflag:s4], $0x0  }
0x19: {  	s7 =	sld [smem:$0x3F9C]  }
0x1a: {  	s8 =	sadd.s32 $0xFFFFE003, lr  }
0x1b: {  	s9 =	sadd.s32 $0xFFFFFEF7, lr;
	s5 =	simm.s32 $0xFFFFFFFF;
	p2 =	slt.u32 s8, $0xFFFFF086  }
0x1c: {  	p1 =	slt.u32 s9, $0xF7A;
	s5 =	simm.s32 @!p2 $0x0  }
0x1d: {  	s5 =	simm.s32 @p1 $0x1;
	p0 =	seq.s32 s7, s2  }
0x1e: {  	s7 =	smul.u32 @!p0 $0xF7A, s2;
	p2 =	seq.s32 @!p0 s5, $0x0  }
0x1f: {  	s9 =	smul.u32 $0xF7A, s1;
	s8 =	simm.s32 @!p0 $0x1BF5;
	p2 =	por !p2, p0  }
0x20: {  	[sflag:s8] =	ssyncset.s32 @!p0 $0xFFFFF086;
	s6 =	sadd.s32 @!p0 s3, s7;
	s7 =	simm.s32 @!p0 $0x108  }
0x21: {  	s3 =	sadd.s32 s3, s9;
	s6 =	sadd.s32 @!p0 $0x88, s6;
	s7 =	simm.s32 @p2 $0x1082  }
0x22: {  	[simem:s7], [sflag:s8] =	dma.local @!p0 [hbm:s6], $0xF7A  }
0x23: {  	s9 =	sor.u32 $0xD0000000, s2;
	s6 =	simm.s32 $0x108;
	_ =	swait.ge @!p0 [sflag:s8], $0x0  }
0x24: {  	s3 =	sadd.s32 $0x88, s3;
	s6 =	simm.s32 @!p1 $0x1082;
	[sflag:s4] =	ssyncset.s32 $0xFFFFF086  }
0x25: {  	[simem:s6], [sflag:s4] =	dma.local [hbm:s3], $0xF7A  }
0x26: {  	[smem:$0x3F9C] =	sst s1;
	(tag) =	ssettag s2;
	_ =	strace s9  }
0x27: {  	s1 =	sld [smem:$0x3FAC]  }
0x28: {  	s2 =	sld [smem:$0x3FAD]  }
0x29: {  	s4 =	sld [smem:$0x3FAF]  }
0x2a: {  	p0 =	seq.s32 s5, $0x0;
	s5 =	sld [smem:$0x3FB0]  }
0x2b: {  	s6 =	sld [smem:$0x3FB1]  }
0x2c: {  	s7 =	sld [smem:$0x3FB2]  }
0x2d: {  	s3 =	simm.s32 $0x108;
	s8 =	sld [smem:$0x3FB3]  }
0x2e: {  	s3 =	simm.s32 @!p0 $0x1082;
	s9 =	sld [smem:$0x3FB4]  }
0x2f: {  	lr =	sadd.s32 s0, s3;
	s0 =	sld [smem:$0x3FAB]  }
0x30: {  	s3 =	sld [smem:$0x3FAE]  }
0x31: {  	[smem:$0x3FB7] =	sst s10  }
0x32: {  	s10 =	sld [smem:$0x3FB5];
	_ =	sdelay $0x3  }
0x33: {  	p0 =	seq.s32 s10, $0x1;
	s10 =	sld [smem:$0x3FB7];
	_ =	sdelay $0x3  }
0x34: {  	[smem:$0x3FB7] =	sst s10  }
0x35: {  	s10 =	sld [smem:$0x3FB6];
	_ =	sdelay $0x3  }
0x36: {  	p1 =	seq.s32 s10, $0x1;
	s10 =	sld [smem:$0x3FB7];
	_ =	sdelay $0x3  }
0x37: {  	[smem:$0x3FB7] =	sst s10  }
0x38: {  	s10 =	sld [smem:$0x3FB8]  }
0x39: {  	_ = 	snop;
	(pc) =	sbr.ind lr, $3  }
0x3a: {  	_ = 	snop  }
0x3b: {  	_ = 	snop  }
0x3c: {  	p2 =	seq.s32 s10, $0x1;
	s10 =	sld [smem:$0x3FB7]  }
0x3d: {  	_ =	shalt  }
0x3e: {  	_ =	shalt  }
0x3f: {  	_ =	shalt  }
0x40: {  	_ =	shalt  }
0x41: {  	_ =	shalt  }
0x42: {  	_ =	shalt  }
0x43: {  	_ =	shalt  }
0x44: {  	_ =	shalt  }
0x45: {  	_ =	shalt  }
0x46: {  	_ =	shalt  }
0x47: {  	_ =	shalt  }
0x48: {  	_ =	shalt  }
0x49: {  	_ =	shalt  }
0x4a: {  	_ =	shalt  }
0x4b: {  	_ =	shalt  }
0x4c: {  	_ =	shalt  }
0x4d: {  	_ =	shalt  }
0x4e: {  	_ =	shalt  }
0x4f: {  	_ =	shalt  }
0x50: {  	_ =	shalt  }
0x51: {  	_ =	shalt  }
0x52: {  	_ =	shalt  }
0x53: {  	_ =	shalt  }
0x54: {  	_ =	shalt  }
0x55: {  	_ =	shalt  }
0x56: {  	_ =	shalt  }
0x57: {  	_ =	shalt  }
0x58: {  	_ =	shalt  }
0x59: {  	_ =	shalt  }
0x5a: {  	_ =	shalt  }
0x5b: {  	_ =	shalt  }
0x5c: {  	_ =	shalt  }
0x5d: {  	_ =	shalt  }
0x5e: {  	_ =	shalt  }
0x5f: {  	_ =	shalt  }
0x60: {  	_ =	shalt  }
0x61: {  	_ =	shalt  }
0x62: {  	_ =	shalt  }
0x63: {  	_ =	shalt  }
0x64: {  	_ =	shalt  }
0x65: {  	_ =	shalt  }
0x66: {  	_ =	shalt  }
0x67: {  	_ =	shalt  }
0x68: {  	_ =	shalt  }
0x69: {  	_ =	shalt  }
0x6a: {  	_ =	shalt  }
0x6b: {  	_ =	shalt  }
0x6c: {  	_ =	shalt  }
0x6d: {  	_ =	shalt  }
0x6e: {  	_ =	shalt  }
0x6f: {  	_ =	shalt  }
0x70: {  	_ =	shalt  }
0x71: {  	_ =	shalt  }
0x72: {  	_ =	shalt  }
0x73: {  	_ =	shalt  }
0x74: {  	_ =	shalt  }
0x75: {  	_ =	shalt  }
0x76: {  	_ =	shalt  }
0x77: {  	_ =	shalt  }
0x78: {  	_ =	shalt  }
0x79: {  	_ =	shalt  }
0x7a: {  	_ =	shalt  }
0x7b: {  	_ =	shalt  }
0x7c: {  	_ =	shalt  }
0x7d: {  	_ =	shalt  }
0x7e: {  	_ =	shalt  }
0x7f: {  	_ =	shalt  }
0x80: {  	_ =	shalt  }
0x81: {  	_ =	shalt  }
0x82: {  	_ =	shalt  }
0x83: {  	_ =	shalt  }
0x84: {  	_ =	shalt  }
0x85: {  	_ =	shalt  }
0x86: {  	_ =	shalt  }
0x87: {  	_ =	shalt  }
.Lfunc_end0:
.L_simem_size_0:
called_computation_lowered:
.L_overlay_start_0:
0x88: {  	s2 =	sld [smem:$0x3FD9]  }
0x89: {  	s3 =	sld [smem:$0x3FFE];
	_ =	sdelay $0x1  }
0x8a: {  	s1 =	srdreg.scid  }
0x8b: {  	s0 =	sand.u32 $0x1, s1  }
0x8c: {  	s17 =	sshll.u32 s0, $0xA;
	s2 =	sadd.s32 s3, s2  }
0x8d: {  	s2 =	sadd.s32 s2, s17  }
0x8e: {  	[smem:$0x3FC3] =	sst s2  }
0x8f: {  	_ = 	snop  }
0x90: {  	s2 =	sld [smem:$0x3FD0];
	(tm) =	ssettm $0x1  }
0x91: {  	s18 =	sld [smem:$0x3FFB];
	_ =	sdelay $0x3  }
0x92: {  	_ =	strace s18  }
0x93: {  	s3 =	sld [smem:$0x3FFC];
	_ =	sdelay $0x3  }
0x94: {  	_ =	strace s3  }
0x95: {  	s3 =	sld [smem:$0x3FFD];
	_ =	sdelay $0x3  }
0x96: {  	_ =	strace s3  }
0x97: {  	_ =	strace $0x8FFFFFFF  }
0x98: {  	s19 =	sld [smem:$0x3FDB];
	_ =	sdelay $0x1  }
0x99: {  	s4 =	simm.s32 $_scs_section_size  }
0x9a: {  	s5 =	simm.s32 $_size__tile_overlayer_lowered;
	s6 =	simm.s32 $_tile_overlayer_lowered  }
0x9b: {  	s22 =	simm.s32 $0x1BFF;
	s21 =	sshll.u32 s6, $0x1;
	s3 =	sadd.s32 s4, s19  }
0x9c: {  	s7 =	simm.s32 $0x0;
	s20 =	sshll.u32 s5, $0x1;
	s5 =	sadd.s32 s21, s3  }
0x9d: {  	[timem:s7], [sflag:s22] =	dma.local [hbm:s5], s20  }
0x9e: {  	_ =	swait.ge [sflag:s22], s20  }
0x9f: {  	s4 =	ssub.s32 $0x0, s20;
	[sflag:s22] =	ssyncset.done $0x0  }
0xa0: {  	[sflag:s22] =	ssyncadd.s32 s4;
	_ =	sdelay $0x1  }
0xa1: {  	s23 =	simm.s32 $0x1B8B  }
0xa2: {  	_ =	swait.ge [sflag:s23], $0x1  }
0xa3: {  	[sflag:s23] =	ssyncset.done $0x0  }
0xa4: {  	s25 =	simm.s32 $0x1B8E;
	s24 =	sld [smem:$0x3FFE];
	[sflag:s23] =	ssyncadd.s32 $0xFFFFFFFF  }
0xa5: {  	s26 =	simm.s32 $execute0_lowered;
	[smem:$0x3FD2] =	sst s25  }
0xa6: {  	s5 =	sshll.u32 s26, $0x1;
	_ =	strace $0x80000046;
	[dreg:$0x1] =	wrdreg $0xFFFFFFFF  }
0xa7: {  	s28 =	simm.s32 $_size_execute0_lowered;
	s3 =	sadd.s32 s3, s5;
	[dreg:$0x0] =	wrdreg $0x0  }
0xa8: {  	s5 =	sshll.u32 s28, $0x1;
	[dreg:$0x2] =	wrdreg s3  }
0xa9: {  	[dreg:$0x3] =	wrdreg s5  }
0xaa: {  	[dreg:$0x4] =	wrdreg $0xC0  }
0xab: {  	_ =	task [dreg:s7], $0x5FFFF  }
0xac: {  	[dreg:$0x1] =	wrdreg $0xFFFFFFFF  }
0xad: {  	[dreg:$0x0] =	wrdreg $0x60  }
0xae: {  	[dreg:$0x2] =	wrdreg s2  }
0xaf: {  	[dreg:$0x3] =	wrdreg s24  }
0xb0: {  	[dreg:$0x4] =	wrdreg $0xDD400  }
0xb1: {  	[dreg:$0x5] =	wrdreg $0x17D400  }
0xb2: {  	[dreg:$0x6] =	wrdreg $0x9  }
0xb3: {  	_ =	task.clear_ibuf [dreg:s7], $0x7FFFF;
	_ =	strace $0x90000046  }
0xb4: {  	s29 =	simm.s32 $0x9;
	_ =	strace $0x80000048  }
0xb5: {  	_ =	swait.ge [sflag:s29], $0x1  }
0xb6: {  	[sflag:s29] =	ssyncadd.s32 $0xFFFFFFFF  }
0xb7: {  	_ =	strace $0x90000048  }
0xb8: {  	_ =	sfence  }
0xb9: {  	s30 =	sld [smem:$0x0];
	_ =	sdelay $0x2  }
0xba: {  	s31 =	sshll.u32 s1, $0xD;
	s1 =	sshrl.u32 s1, $0x2  }
0xbb: {  	s3 =	sand.u32 $0x4000, s31;
	s1 =	sadd.s32 s1, s30  }
0xbc: {  	s0 =	sor.u32 s3, s0;
	s1 =	sshll.u32 s1, $0x11  }
0xbd: {  	s0 =	sor.u32 s1, s0  }
0xbe: {  	s0 =	sadd.s32 $0x8F2B, s0  }
0xbf: {  	[sflag:s0] =	ssyncadd.remote.s32 $0x1  }
0xc0: {  	_ =	sfence.sel $0xFFFF  }
0xc1: {  	[dreg:$0x0] =	wrdreg $0xFFFFFFFF;
	(pc) =	sbr.abs _section_cstart, $3  }
0xc2: {  	[dreg:$0x1] =	wrdreg $0xFFFFFFFF  }
0xc3: {  	_ =	task.clear_ibuf [dreg:s7], $0x2FFFF;
	_ =	strace $0x9FFFFFFF  }
0xc4: {  	(tm) =	ssettm $0x7FFFFFFF  }
0xc5: {  	_ =	shalt  }
tec
execute0_lowered:
.L_overlay_start_1:
0x0: {  	(tag) =	ssettag $0x1  }
0x1: {  	s14 =	stileid.u32  }
0x2: {  	s0 =	rddreg [dreg:$0x0];
	s5 =	smul.u32 $0x4E20, s14  }
0x3: {  	s1 =	rddreg [dreg:$0x1];
	s6 =	smul.u32 $0x9C40, s14  }
0x4: {  	s3 =	srdreg.scid;
	s12 =	smul.u32 $0xA000, s14  }
0x5: {  	s2 =	rddreg [dreg:$0x2];
	s10 =	smul.u32 $0x2800, s14  }
0x6: {  	s4 =	simm.s32 $0x0;
	s28 =	simm.s32 $0xD540;
	s18 =	smul.u32 $0x280, s14  }
0x7: {  	s30 =	simm.s32 $0x50;
	s8 =	sand.u32 $0x1, s3;
	s26 =	smul.u32 $0x28000, s14  }
0x8: {  	s31 =	simm.s32 $0x9C40;
	s3 =	rddreg [dreg:$0x3];
	s7 =	smul.u32 $0xA0000, s8  }
0x9: {  	s29 =	simm.s32 $0x0;
	[smem:$0x7FF] =	sst s4;
	s9 =	smul.u32 $0x28000, s8  }
0xa: {  	_ =	strace $0x80000047;
	s11 =	ssub.s32 $0x2, s8;
	s23 =	smul.u32 $0x13880, s8  }
0xb: {  	s5 =	sshrl.u32 s5, $0x3;
	s6 =	sadd.s32 s6, s1;
	s22 =	sshrl.u32 s11, $0x1  }
0xc: {  	s17 =	sadd.s32 $0x80, s18;
	s19 =	sshrl.u32 s12, $0x2;
	s5 =	sadd.s32 s5, s1  }
0xd: {  	s7 =	sadd.s32 s12, s7;
	s9 =	sadd.s32 s10, s9;
	s11 =	ssub.s32 s11, s22  }
0xe: {  	s10 =	sadd.s32 s10, s3;
	s20 =	sshll.u32 s17, $0x6;
	s22 =	sadd.s32 $0x100, s18  }
0xf: {  	s7 =	sshrl.u32 s7, $0x3;
	s21 =	sshrl.u32 s9, $0x3;
	s24 =	sadd.s32 $0xAC00, s5  }
0x10: {  	s5 =	sadd.s32 $0xE00, s5;
	s16 =	smax.u32 s11, $0x1;
	s15 =	sshll.u32 s22, $0x6  }
0x11: {  	s13 =	sadd.s32 s7, s1;
	s1 =	sadd.s32 s21, s1;
	[dreg:$0x5] =	wrdreg s24  }
0x12: {  	[dreg:$0x6] =	wrdreg s5;
	s7 =	sadd.s32 s0, s23;
	s5 =	sadd.s32 s12, s2  }
0x13: {  	[dreg:$0x9] =	wrdreg s16;
	s0 =	sshrl.u32 s26, $0x2;
	s12 =	sadd.s32 s19, s3  }
0x14: {  	s21 =	sshll.u32 s17, $0x4;
	s19 =	sadd.s32 $0x180, s18;
	s15 =	sadd.s32 s15, s2  }
0x15: {  	s25 =	sadd.s32 $0x1EA00, s13;
	s1 =	sadd.s32 $0x14A00, s1;
	s11 =	sadd.s32 s0, s2  }
0x16: {  	s13 =	sadd.s32 s20, s2;
	s14 =	sadd.s32 s21, s3;
	s0 =	sshll.u32 s22, $0x4  }
0x17: {  	s17 =	sshll.u32 s19, $0x6;
	s23 =	sshll.u32 s19, $0x4;
	s21 =	smul.u32 $0x140, s8  }
0x18: {  	s20 =	sadd.s32 $0x200, s18;
	s8 =	smul.u32 $0xA0, s8;
	[dreg:$0x7] =	wrdreg s25  }
0x19: {  	[dreg:$0x8] =	wrdreg s1;
	s16 =	sadd.s32 s0, s3;
	s17 =	sadd.s32 s17, s2  }
0x1a: {  	s18 =	sadd.s32 s23, s3;
	s24 =	sshll.u32 s20, $0x6;
	s25 =	sshll.u32 s20, $0x4  }
0x1b: {  	s23 =	simm.s32 $0xB540;
	s1 =	simm.s32 $0x1;
	s0 =	simm.s32 $0xB040  }
0x1c: {  	s19 =	sadd.s32 s24, s2;
	s21 =	sshrl.u32 s21, $0x2;
	s20 =	sadd.s32 s25, s3  }
0x1d: {  	s26 =	sadd.s32 s8, s6;
	s24 =	sshrl.u32 s5, $0x3;
	s25 =	sshrl.u32 s10, $0x3  }
0x1e: {  	v0 =	vimm.f32 $0.0e+00;
	s21 =	sadd.s32 $0x4E20, s21;
	s22 =	sadd.s32 $0x4F6A00, s26;
	s26 =	simm.s32 $0x2  }
.LBB2_1:
0x1f: {  	s5 =	simm.s32 $0xB560  }
0x20: {  	[tilespmem:s5+$0x0] =	vst v0  }
0x21: {  	[tilespmem:s5+$0xFFFFFFE0] =	vst v0  }
0x22: {  	[tilespmem:s5+$0x10] =	vst v0  }
0x23: {  	s6 =	simm.s32 $0x40;
	s8 =	simm.s32 $0x0;
	[tilespmem:s5+$0xFFFFFFF0] =	vst v0  }
.LBB2_2:
0x24: {  	p0 =	sne.s32 s6, $0x1FC0  }
0x25: {  	[tilespmem:s8+$0xD540] =	vst v0;
	s5 =	sadd.s32 $0x40, s5;
	s8 =	smov.u32 s6;
	s6 =	sadd.s32 $0x40, s6  }
.Ltmp0:
0x26: {  	[tilespmem:s5+$0x0] =	vst v0;
	(pc) =	sbr.rel @p0 .LBB2_2-.Ltmp0, $4  }
0x27: {  	_ = 	snop  }
0x28: {  	[tilespmem:s5+$0xFFFFFFE0] =	vst v0  }
0x29: {  	[tilespmem:s5+$0x10] =	vst v0  }
0x2a: {  	s8 =	sshra.s32 s8, $0x2;
	[tilespmem:s5+$0xFFFFFFF0] =	vst v0  }
0x2b: {  	[tilespmem:s8+$0xD540] =	vst v0  }
0x2c: {  	[spmem:s11] =	stream.linear.scatter [tilespmem:s23], [sflag:$0x2], $0x2000, $0x38;
	[tilespmem:$0x1A540] =	vst v63  }
0x2d: {  	_ =	swait.ge [sflag:s26], $0x2000  }
0x2e: {  	[sflag:s26] =	ssyncset.done $0x0  }
0x2f: {  	[sflag:s26] =	ssyncadd.s32 $0xFFFFE000  }
0x30: {  	[spmem:s12] =	stream.linear.scatter [tilespmem:s28], [sflag:$0x2], $0x800, $0x38;
	[tilespmem:$0x1A540] =	vst v63  }
0x31: {  	_ =	swait.ge [sflag:s26], $0x800  }
0x32: {  	[sflag:s26] =	ssyncset.done $0x0  }
0x33: {  	[sflag:s26] =	ssyncadd.s32 $0xFFFFF800  }
0x34: {  	[spmem:s13] =	stream.linear.scatter [tilespmem:s23], [sflag:$0x2], $0x2000, $0x38;
	[tilespmem:$0x1A540] =	vst v63  }
0x35: {  	_ =	swait.ge [sflag:s26], $0x2000  }
0x36: {  	[sflag:s26] =	ssyncset.done $0x0  }
0x37: {  	[sflag:s26] =	ssyncadd.s32 $0xFFFFE000  }
0x38: {  	[spmem:s14] =	stream.linear.scatter [tilespmem:s28], [sflag:$0x2], $0x800, $0x38;
	[tilespmem:$0x1A540] =	vst v63  }
0x39: {  	_ =	swait.ge [sflag:s26], $0x800  }
0x3a: {  	[sflag:s26] =	ssyncset.done $0x0  }
0x3b: {  	[sflag:s26] =	ssyncadd.s32 $0xFFFFF800  }
0x3c: {  	[spmem:s15] =	stream.linear.scatter [tilespmem:s23], [sflag:$0x2], $0x2000, $0x38;
	[tilespmem:$0x1A540] =	vst v63  }
0x3d: {  	_ =	swait.ge [sflag:s26], $0x2000  }
0x3e: {  	[sflag:s26] =	ssyncset.done $0x0  }
0x3f: {  	[sflag:s26] =	ssyncadd.s32 $0xFFFFE000  }
0x40: {  	[spmem:s16] =	stream.linear.scatter [tilespmem:s28], [sflag:$0x2], $0x800, $0x38;
	[tilespmem:$0x1A540] =	vst v63  }
0x41: {  	_ =	swait.ge [sflag:s26], $0x800  }
0x42: {  	[sflag:s26] =	ssyncset.done $0x0  }
0x43: {  	[sflag:s26] =	ssyncadd.s32 $0xFFFFF800  }
0x44: {  	[spmem:s17] =	stream.linear.scatter [tilespmem:s23], [sflag:$0x2], $0x2000, $0x38;
	[tilespmem:$0x1A540] =	vst v63  }
0x45: {  	_ =	swait.ge [sflag:s26], $0x2000  }
0x46: {  	[sflag:s26] =	ssyncset.done $0x0  }
0x47: {  	[sflag:s26] =	ssyncadd.s32 $0xFFFFE000  }
0x48: {  	[spmem:s18] =	stream.linear.scatter [tilespmem:s28], [sflag:$0x2], $0x800, $0x38;
	[tilespmem:$0x1A540] =	vst v63  }
0x49: {  	_ =	swait.ge [sflag:s26], $0x800  }
0x4a: {  	[sflag:s26] =	ssyncset.done $0x0  }
0x4b: {  	[sflag:s26] =	ssyncadd.s32 $0xFFFFF800  }
0x4c: {  	[spmem:s19] =	stream.linear.scatter [tilespmem:s23], [sflag:$0x2], $0x2000, $0x38;
	[tilespmem:$0x1A540] =	vst v63  }
0x4d: {  	_ =	swait.ge [sflag:s26], $0x2000  }
0x4e: {  	[sflag:s26] =	ssyncset.done $0x0  }
0x4f: {  	[sflag:s26] =	ssyncadd.s32 $0xFFFFE000  }
0x50: {  	[spmem:s20] =	stream.linear.scatter [tilespmem:s28], [sflag:$0x2], $0x800, $0x38;
	[tilespmem:$0x1A540] =	vst v63  }
0x51: {  	_ =	swait.ge [sflag:s26], $0x800  }
0x52: {  	[sflag:s26] =	ssyncset.done $0x0  }
0x53: {  	s5 =	simm.s32 $0x0;
	s6 =	rddreg [dreg:$0x5];
	[sflag:s26] =	ssyncadd.s32 $0xFFFFF800  }
0x54: {  	[tilespmem:s5], [sflag:$0x2] =	stream.linear.gather [hbm4b:s6+s5], $0x4E20, $0x38;
	[tilespmem:$0x1A540] =	vst v63  }
0x55: {  	_ =	swait.ge [sflag:s26], $0x4E20  }
0x56: {  	[sflag:s26] =	ssyncset.done $0x0  }
0x57: {  	s10 =	simm.s32 $0x4E20;
	s9 =	rddreg [dreg:$0x6];
	[sflag:s26] =	ssyncadd.s32 $0xFFFFB1E0  }
0x58: {  	[tilespmem:s10], [sflag:$0x2] =	stream.linear.gather [hbm4b:s9+s5], $0x4E20, $0x38;
	[tilespmem:$0x1A540] =	vst v63  }
0x59: {  	_ =	swait.ge [sflag:s26], $0x4E20  }
0x5a: {  	[sflag:s26] =	ssyncset.done $0x0  }
0x5b: {  	[sflag:s26] =	ssyncadd.s32 $0xFFFFB1E0  }
0x5c: {  	s9 =	simm.s32 $0x0;
	[bflag:$0x0] =	sbarrier.arrive $0xFFFF  }
0x5d: {  	[tilespmem:s31], [sflag:$0x1] =	stream.indirect.gather [hbm4b:s7+s30], $0x40, s9, s30, $0xb8;
	[tilespmem:$0x1A540] =	vst v63  }
0x5e: {  	_ =	swait.ge [sflag:s1], $0x1400  }
0x5f: {  	[sflag:s1] =	ssyncset.done $0x0  }
0x60: {  	s10 =	simm.s32 $0x4E20;
	[sflag:s1] =	ssyncadd.s32 $0xFFFFEC00  }
0x61: {  	[spmem:s2] =	stream.indirect.scatter.add.f32 [tilespmem:s31], [sflag:$0x2], $0x40, s10, s30, $0xb8;
	[tilespmem:$0x1A540] =	vst v63  }
0x62: {  	s8 =	simm.s32 $0x280;
	_ =	swait.ge [sflag:s26], $0x1400  }
0x63: {  	s6 =	simm.s32 $0x140;
	s5 =	simm.s32 $0x140;
	[sflag:s26] =	ssyncset.done $0x0  }
.LBB2_4:
0x64: {  	s9 =	sshra.s32 s6, $0x2  }
0x65: {  	[sflag:s26] =	ssyncadd.s32 $0xFFFFEC00;
	s6 =	smov.u32 s8;
	s10 =	sadd.s32 $0x140, s8  }
0x66: {  	[tilespmem:s31], [sflag:$0x1] =	stream.indirect.gather [hbm4b:s7+s30], $0x40, s9, s30, $0xb8;
	[tilespmem:$0x1A540] =	vst v63  }
0x67: {  	p0 =	sne.s32 s8, $0x13740;
	_ =	swait.ge [sflag:s1], $0x1400  }
.Ltmp1:
0x68: {  	[sflag:s1] =	ssyncset.done $0x0;
	(pc) =	sbr.rel @p0 .LBB2_4-.Ltmp1, $4  }
0x69: {  	s8 =	sadd.s32 $0x4E20, s9;
	[sflag:s1] =	ssyncadd.s32 $0xFFFFEC00  }
0x6a: {  	[spmem:s2] =	stream.indirect.scatter.add.f32 [tilespmem:s31], [sflag:$0x2], $0x40, s8, s30, $0xb8;
	[tilespmem:$0x1A540] =	vst v63  }
0x6b: {  	_ =	swait.ge [sflag:s26], $0x1400  }
0x6c: {  	s8 =	smov.u32 s10;
	[sflag:s26] =	ssyncset.done $0x0  }
0x6d: {  	s6 =	sshra.s32 s6, $0x2;
	[sflag:s26] =	ssyncadd.s32 $0xFFFFEC00  }
0x6e: {  	[tilespmem:s31], [sflag:$0x1] =	stream.indirect.gather [hbm4b:s7+s30], $0x40, s6, s30, $0xb8;
	[tilespmem:$0x1A540] =	vst v63  }
0x6f: {  	_ =	swait.ge [sflag:s1], $0x1400  }
0x70: {  	[sflag:s1] =	ssyncset.done $0x0  }
0x71: {  	s6 =	sadd.s32 $0x4E20, s6;
	[sflag:s1] =	ssyncadd.s32 $0xFFFFEC00  }
0x72: {  	[spmem:s2] =	stream.indirect.scatter.add.f32 [tilespmem:s31], [sflag:$0x2], $0x40, s6, s30, $0xb8;
	[tilespmem:$0x1A540] =	vst v63  }
0x73: {  	_ =	swait.ge [sflag:s26], $0x1400  }
0x74: {  	[sflag:s26] =	ssyncset.done $0x0  }
0x75: {  	s10 =	sadd.s32 $0x0, s22;
	[sflag:s26] =	ssyncadd.s32 $0xFFFFEC00  }
0x76: {  	[tilespmem:s0], [sflag:$0x2] =	stream.linear.gather [hbm4b:s10+s4], $0x500, $0x38;
	[tilespmem:$0x1A540] =	vst v63  }
0x77: {  	_ =	swait.ge [sflag:s26], $0x500  }
0x78: {  	[sflag:s26] =	ssyncset.done $0x0  }
0x79: {  	[sflag:s26] =	ssyncadd.s32 $0xFFFFFB00  }
0x7a: {  	[spmem:s3] =	stream.indirect.scatter.add.f32 [tilespmem:s0], [sflag:$0x2], $0x10, s21, s30, $0xb8;
	[tilespmem:$0x1A540] =	vst v63  }
0x7b: {  	_ =	swait.ge [sflag:s26], $0x500  }
0x7c: {  	s8 =	simm.s32 $0x280;
	s6 =	sadd.s32 $0xA0, s21;
	[sflag:s26] =	ssyncset.done $0x0  }
.LBB2_6:
0x7d: {  	s9 =	sadd.s32 s5, s22  }
0x7e: {  	[sflag:s26] =	ssyncadd.s32 $0xFFFFFB00;
	s5 =	smov.u32 s8;
	s10 =	sadd.s32 $0x140, s8  }
0x7f: {  	[tilespmem:s0], [sflag:$0x2] =	stream.linear.gather [hbm4b:s9+s4], $0x500, $0x38;
	[tilespmem:$0x1A540] =	vst v63  }
0x80: {  	p0 =	sne.s32 s8, $0x9B00;
	_ =	swait.ge [sflag:s26], $0x500  }
.Ltmp2:
0x81: {  	[sflag:s26] =	ssyncset.done $0x0;
	(pc) =	sbr.rel @p0 .LBB2_6-.Ltmp2, $4  }
0x82: {  	[sflag:s26] =	ssyncadd.s32 $0xFFFFFB00  }
0x83: {  	[spmem:s3] =	stream.indirect.scatter.add.f32 [tilespmem:s0], [sflag:$0x2], $0x10, s6, s30, $0xb8;
	[tilespmem:$0x1A540] =	vst v63  }
0x84: {  	_ =	swait.ge [sflag:s26], $0x500  }
0x85: {  	s8 =	smov.u32 s10;
	s6 =	sadd.s32 $0xA0, s6;
	[sflag:s26] =	ssyncset.done $0x0  }
0x86: {  	s5 =	sadd.s32 s5, s22;
	[sflag:s26] =	ssyncadd.s32 $0xFFFFFB00  }
0x87: {  	[tilespmem:s0], [sflag:$0x2] =	stream.linear.gather [hbm4b:s5+s4], $0x500, $0x38;
	[tilespmem:$0x1A540] =	vst v63  }
0x88: {  	_ =	swait.ge [sflag:s26], $0x500  }
0x89: {  	[sflag:s26] =	ssyncset.done $0x0  }
0x8a: {  	[sflag:s26] =	ssyncadd.s32 $0xFFFFFB00  }
0x8b: {  	[spmem:s3] =	stream.indirect.scatter.add.f32 [tilespmem:s0], [sflag:$0x2], $0x10, s6, s30, $0xb8;
	[tilespmem:$0x1A540] =	vst v63  }
0x8c: {  	_ =	swait.ge [sflag:s26], $0x500  }
0x8d: {  	[sflag:s26] =	ssyncset.done $0x0  }
0x8e: {  	s6 =	stileid.u32;
	[sflag:s26] =	ssyncadd.s32 $0xFFFFFB00  }
0x8f: {  	s5 =	sshll.u32 s6, $0x6;
	[bflag:$0x0] =	sbarrier.arrive $0xFFFF  }
0x90: {  	s5 =	sor.u32 $0x1C02, s5;
	s8 =	rddreg [dreg:$0x7]  }
0x91: {  	[hbm:s8], [sflag:s5] =	dma.local [spmem:s24], $0x1400  }
0x92: {  	_ =	swait.ge [sflag:s26], $0x1400  }
0x93: {  	[sflag:s26] =	ssyncset.done $0x0  }
0x94: {  	s9 =	rddreg [dreg:$0x8];
	[sflag:s26] =	ssyncadd.s32 $0xFFFFEC00  }
0x95: {  	[hbm:s9], [sflag:s5] =	dma.local [spmem:s25], $0x500  }
0x96: {  	_ =	swait.ge [sflag:s26], $0x500  }
0x97: {  	s29 =	sadd.s32 $0x1, s29;
	s10 =	rddreg [dreg:$0x9]  }
0x98: {  	p0 =	sne.s32 s29, s10  }
.Ltmp3:
0x99: {  	_ = 	snop;
	(pc) =	sbr.rel @p0 .LBB2_1-.Ltmp3, $3  }
0x9a: {  	_ =	sdelay $0x1  }
0x9b: {  	[sflag:s26] =	ssyncset.done $0x0  }
0x9c: {  	[sflag:s26] =	ssyncadd.s32 $0xFFFFFB00  }
0x9d: {  	_ =	sfence.sel $0x180000  }
0x9e: {  	[bflag:$0x0] =	sbarrier.arrive $0xFFFF  }
0x9f: {  	_ =	strace $0x90000047  }
0xa0: {  	s0 =	stileid.u32;
	[bflag:$0x2] =	sbarrier.arrive $0xFFFF  }
0xa1: {  	p0 =	sne.s32 s0, $0x0;
	s0 =	rddreg [dreg:$0x4]  }
0xa2: {  	s0 =	sadd.s32 @!p0 $0x100000, s0  }
0xa3: {  	[sflag:s0] =	ssyncadd.tile.s32 @!p0 $0x1;
	_ =	shalt  }
.Lfunc_end2:
_tile_overlayer_lowered:
.L_overlay_start_2:
0xa4: {  	(tag) =	ssettag $0x2  }
0xa5: {  	s0 =	rddreg [dreg:$0x0];
	s2 =	stileid.u32  }
0xa6: {  	s1 =	rddreg [dreg:$0x1];
	p0 =	sne.s32 s2, $0x0  }
0xa7: {  	s3 =	rddreg [dreg:$0x2];
	[bflag:$0x3] =	sbarrier.arrive $0xFFFF;
	s2 =	simm.s32 @!p0 $0x1C02  }
0xa8: {  	[timem:s3], [sflag:s2] =	dma.local @!p0 [hbm:s0], s1  }
0xa9: {  	s0 =	simm.s32 @!p0 $0x2  }
0xaa: {  	_ =	swait.ge @!p0 [sflag:s0], s1  }
0xab: {  	s1 =	ssub.s32 @!p0 $0x0, s1;
	[sflag:s0] =	ssyncset.done @!p0 $0x0  }
0xac: {  	[sflag:s0] =	ssyncadd.s32 @!p0 s1  }
0xad: {  	[bflag:$0x3] =	sbarrier.arrive $0xFFFF  }
0xae: {  	_ =	shalt  }

</sc_bundles>
